<compile_context>
chip_gen: v7x
topology: tpu7x:2x2x1
jax: 0.10.2.dev20260603
libtpu: 0.0.44.dev20260713+nightly
codegen_flags: <defaults>
</compile_context>

<pallas_src>
import functools

import jax
import jax.numpy as jnp
from jax import lax
from jax.experimental import pallas as pl
from jax.experimental.pallas import tpu as pltpu
from jax.experimental.pallas import tpu_sc as plsc

_D = 128
_CH = 200
_NB = 4


def _embed(ids, table):
    n_rows = ids.shape[0]
    info = plsc.get_sparse_core_info()
    nc = info.num_cores
    nw = nc * info.num_subcores
    rows_w = n_rows // nw
    nch = rows_w // _CH

    mesh = plsc.VectorSubcoreMesh(core_axis_name="c", subcore_axis_name="s")

    @functools.partial(
        pl.kernel,
        mesh=mesh,
        out_type=jax.ShapeDtypeStruct((n_rows, _D), jnp.float32),
        scratch_types=[
            pltpu.VMEM((rows_w,), jnp.int32),
        ] + [pltpu.VMEM((_CH, _D), jnp.float32) for _ in range(_NB)]
          + [pltpu.SemaphoreType.DMA for _ in range(2 * _NB)],
    )
    def emb(ids_hbm, table_hbm, out_hbm, idx_v, *rest):
        bufs = rest[:_NB]
        gs = rest[_NB:2 * _NB]
        ss = rest[2 * _NB:]

        wid = lax.axis_index("s") * nc + lax.axis_index("c")
        base = wid * rows_w
        pltpu.sync_copy(ids_hbm.at[pl.ds(base, rows_w)], idx_v)

        def gather(c, b):
            idx = idx_v.at[pl.ds(c * _CH, _CH)]
            pltpu.async_copy(table_hbm.at[idx], bufs[b], gs[b])

        def wait_gather(b):
            pltpu.make_async_copy(
                table_hbm.at[pl.ds(0, _CH)], bufs[b], gs[b]).wait()

        def store(c, b):
            pltpu.async_copy(
                bufs[b], out_hbm.at[pl.ds(base + c * _CH, _CH)], ss[b])

        def wait_store(b):
            pltpu.make_async_copy(
                bufs[b], out_hbm.at[pl.ds(base, _CH)], ss[b]).wait()

        def step(c, j, head, tail):
            wait_gather(j)
            store(c, j)
            if tail:
                return
            j2 = (j + 2) % _NB
            if not head:
                wait_store(j2)
            gather(c + 2, j2)

        gather(0, 0)
        gather(1, 1)
        for j in range(_NB):
            step(j, j, head=(j < 2), tail=False)

        def body(g, carry):
            for j in range(_NB):
                step(g * _NB + j, j, head=False, tail=False)
            return carry

        lax.fori_loop(1, nch // _NB - 1, body, 0)

        for j in range(_NB):
            c = nch - _NB + j
            step(c, j, head=False, tail=(j >= 2))

        for j in range(_NB):
            wait_store(j)

    return emb(ids, table)


def kernel(input_ids, table):
    b, l = input_ids.shape
    ids = input_ids.astype(jnp.int32).reshape(-1)
    out = _embed(ids, table)
    return out.reshape(b, l, _D)

# --- scband reference (transcript-rebuilt; emitter-appended) ---
"""Pipeline reference for scband-token-embeddings-36189394436534 (READ-ONLY COPY).

The authoritative reference and input builder live on the scoring server;
editing this copy changes nothing except your own understanding.
"""

import jax, jax.numpy as jnp
import numpy as np

VOCAB = 100000
D_MODEL = 128
B = 4096
L = 200

def setup_inputs(seed: int = 0) -> dict:
    key = jax.random.key(seed)
    k1, k2 = jax.random.split(key)
    input_ids = jax.random.randint(k1, (B, L), 0, VOCAB, dtype=jnp.int64 if jax.config.jax_enable_x64 else jnp.int32)
    table = jax.random.normal(k2, (VOCAB, D_MODEL), dtype=jnp.float32) * 0.02
    return {"input_ids": input_ids, "table": table}

def reference(input_ids, table):
    # nn.Embedding lookup: gather rows of table by input_ids
    x = jnp.take(table, input_ids, axis=0)  # [B, L, D]
    # Dropout in eval mode is identity (deterministic reference)
    return x

if __name__ == "__main__":
    import jax
    _d = setup_inputs()
    print(jax.jit(kernel)(*tuple(_d.values())))

</pallas_src>

<mosaic_0001>
#map = affine_map<(d0, d1) -> (0)>
#map1 = affine_map<(d0, d1) -> (0, 0)>
module attributes {stable_mosaic.version = 14 : i64} {
  func.func @emb(%arg0: i32, %arg1: i32, %arg2: memref<819200xi32, #tpu.memory_space<hbm>>, %arg3: memref<100000x128xf32, #tpu.memory_space<hbm>>, %arg4: memref<819200x128xf32, #tpu.memory_space<hbm>>, %arg5: memref<25600xi32, #tpu.memory_space<vmem>>, %arg6: memref<200x128xf32, #tpu.memory_space<vmem>>, %arg7: memref<200x128xf32, #tpu.memory_space<vmem>>, %arg8: memref<200x128xf32, #tpu.memory_space<vmem>>, %arg9: memref<200x128xf32, #tpu.memory_space<vmem>>, %arg10: memref<!tpu.dma_semaphore, #tpu.memory_space<semaphore_mem>>, %arg11: memref<!tpu.dma_semaphore, #tpu.memory_space<semaphore_mem>>, %arg12: memref<!tpu.dma_semaphore, #tpu.memory_space<semaphore_mem>>, %arg13: memref<!tpu.dma_semaphore, #tpu.memory_space<semaphore_mem>>, %arg14: memref<!tpu.dma_semaphore, #tpu.memory_space<semaphore_mem>>, %arg15: memref<!tpu.dma_semaphore, #tpu.memory_space<semaphore_mem>>, %arg16: memref<!tpu.dma_semaphore, #tpu.memory_space<semaphore_mem>>, %arg17: memref<!tpu.dma_semaphore, #tpu.memory_space<semaphore_mem>>) attributes {dimension_semantics = [#tpu.dimension_semantics<core_parallel>, #tpu.dimension_semantics<subcore_parallel>], iteration_bounds = array<i64: 2, 16>, scalar_prefetch = 0 : i64, scratch_operands = 13 : i64, tpu.core_type = #tpu.core_type<sc_vector_subcore>, window_params = [{transform_indices = #map}, {transform_indices = #map1}, {transform_indices = #map1}]} {
    %mul3A = arith.constant 2 : i32
    %mul3A_0 = arith.muli %arg1, %mul3A : i32
    %add3A = arith.addi %mul3A_0, %arg0 : i32
    %mul3A_1 = arith.constant 25600 : i32
    %mul3A_2 = arith.muli %add3A, %mul3A_1 : i32
    "tpu.region"() ({
      %run_scoped3A = tpu.sem_alloc : memref<!tpu.dma_semaphore, #tpu.memory_space<semaphore_mem>>
      %dma_start3A_174 = tpu.memref_slice %arg2[%mul3A_2] : memref<819200xi32, #tpu.memory_space<hbm>> -> memref<25600xi32, #tpu.memory_space<hbm>>
      %dma_start3A_175 = tpu.memref_slice %arg2[%mul3A_2] : memref<819200xi32, #tpu.memory_space<hbm>> -> memref<25600xi32, #tpu.memory_space<hbm>>
      tpu.enqueue_dma source(%dma_start3A_175 : memref<25600xi32, #tpu.memory_space<hbm>>) target(%arg5 : memref<25600xi32, #tpu.memory_space<vmem>>) target_semaphore(%run_scoped3A : memref<!tpu.dma_semaphore, #tpu.memory_space<semaphore_mem>>)
      %dma_wait3A_176 = tpu.memref_slice %arg2[%mul3A_2] : memref<819200xi32, #tpu.memory_space<hbm>> -> memref<25600xi32, #tpu.memory_space<hbm>>
      %dma_wait3A_177 = tpu.memref_slice %arg2[%mul3A_2] : memref<819200xi32, #tpu.memory_space<hbm>> -> memref<25600xi32, #tpu.memory_space<hbm>>
      tpu.wait_dma2 semaphore(%run_scoped3A : memref<!tpu.dma_semaphore, #tpu.memory_space<semaphore_mem>>) src(%dma_wait3A_177 : memref<25600xi32, #tpu.memory_space<hbm>>) dst(%arg5 : memref<25600xi32, #tpu.memory_space<vmem>>)
      tpu.yield
    }) : () -> ()
    %dma_start3A = arith.constant 0 : i32
    %dma_start3A_3 = tpu.memref_slice %arg5[%dma_start3A] : memref<25600xi32, #tpu.memory_space<vmem>> -> memref<200xi32, #tpu.memory_space<vmem>>
    %dma_start3A_4 = arith.constant 0 : i32
    %dma_start3A_5 = arith.constant 0 : i32
    %dma_start3A_6 = tpu.memref_slice %arg3[%dma_start3A_4, %dma_start3A_5] : memref<100000x128xf32, #tpu.memory_space<hbm>> -> memref<100000x128xf32, #tpu.memory_space<hbm>>
    tpu.enqueue_indirect_dma source(%dma_start3A_6 : memref<100000x128xf32, #tpu.memory_space<hbm>>) target(%arg6 : memref<200x128xf32, #tpu.memory_space<vmem>>) offsets(%dma_start3A_3 : memref<200xi32, #tpu.memory_space<vmem>>) semaphore(%arg10 : memref<!tpu.dma_semaphore, #tpu.memory_space<semaphore_mem>>)
    %dma_start3A_7 = arith.constant 200 : i32
    %dma_start3A_8 = tpu.memref_slice %arg5[%dma_start3A_7] : memref<25600xi32, #tpu.memory_space<vmem>> -> memref<200xi32, #tpu.memory_space<vmem>>
    %dma_start3A_9 = arith.constant 0 : i32
    %dma_start3A_10 = arith.constant 0 : i32
    %dma_start3A_11 = tpu.memref_slice %arg3[%dma_start3A_9, %dma_start3A_10] : memref<100000x128xf32, #tpu.memory_space<hbm>> -> memref<100000x128xf32, #tpu.memory_space<hbm>>
    tpu.enqueue_indirect_dma source(%dma_start3A_11 : memref<100000x128xf32, #tpu.memory_space<hbm>>) target(%arg7 : memref<200x128xf32, #tpu.memory_space<vmem>>) offsets(%dma_start3A_8 : memref<200xi32, #tpu.memory_space<vmem>>) semaphore(%arg11 : memref<!tpu.dma_semaphore, #tpu.memory_space<semaphore_mem>>)
    %dma_wait3A = arith.constant 0 : i32
    %dma_wait3A_12 = arith.constant 0 : i32
    %dma_wait3A_13 = tpu.memref_slice %arg3[%dma_wait3A, %dma_wait3A_12] : memref<100000x128xf32, #tpu.memory_space<hbm>> -> memref<200x128xf32, #tpu.memory_space<hbm>>
    %dma_wait3A_14 = arith.constant 0 : i32
    %dma_wait3A_15 = arith.constant 0 : i32
    %dma_wait3A_16 = tpu.memref_slice %arg3[%dma_wait3A_14, %dma_wait3A_15] : memref<100000x128xf32, #tpu.memory_space<hbm>> -> memref<200x128xf32, #tpu.memory_space<hbm>>
    tpu.wait_dma2 semaphore(%arg10 : memref<!tpu.dma_semaphore, #tpu.memory_space<semaphore_mem>>) src(%dma_wait3A_16 : memref<200x128xf32, #tpu.memory_space<hbm>>) dst(%arg6 : memref<200x128xf32, #tpu.memory_space<vmem>>)
    %add3A_17 = arith.constant 0 : i32
    %add3A_18 = arith.addi %mul3A_2, %add3A_17 : i32
    %dma_start3A_19 = arith.constant 0 : i32
    %dma_start3A_20 = tpu.memref_slice %arg4[%add3A_18, %dma_start3A_19] : memref<819200x128xf32, #tpu.memory_space<hbm>> -> memref<200x128xf32, #tpu.memory_space<hbm>>
    %dma_start3A_21 = arith.constant 0 : i32
    %dma_start3A_22 = tpu.memref_slice %arg4[%add3A_18, %dma_start3A_21] : memref<819200x128xf32, #tpu.memory_space<hbm>> -> memref<200x128xf32, #tpu.memory_space<hbm>>
    tpu.enqueue_dma source(%arg6 : memref<200x128xf32, #tpu.memory_space<vmem>>) target(%dma_start3A_22 : memref<200x128xf32, #tpu.memory_space<hbm>>) target_semaphore(%arg14 : memref<!tpu.dma_semaphore, #tpu.memory_space<semaphore_mem>>)
    %dma_start3A_23 = arith.constant 400 : i32
    %dma_start3A_24 = tpu.memref_slice %arg5[%dma_start3A_23] : memref<25600xi32, #tpu.memory_space<vmem>> -> memref<200xi32, #tpu.memory_space<vmem>>
    %dma_start3A_25 = arith.constant 0 : i32
    %dma_start3A_26 = arith.constant 0 : i32
    %dma_start3A_27 = tpu.memref_slice %arg3[%dma_start3A_25, %dma_start3A_26] : memref<100000x128xf32, #tpu.memory_space<hbm>> -> memref<100000x128xf32, #tpu.memory_space<hbm>>
    tpu.enqueue_indirect_dma source(%dma_start3A_27 : memref<100000x128xf32, #tpu.memory_space<hbm>>) target(%arg8 : memref<200x128xf32, #tpu.memory_space<vmem>>) offsets(%dma_start3A_24 : memref<200xi32, #tpu.memory_space<vmem>>) semaphore(%arg12 : memref<!tpu.dma_semaphore, #tpu.memory_space<semaphore_mem>>)
    %dma_wait3A_28 = arith.constant 0 : i32
    %dma_wait3A_29 = arith.constant 0 : i32
    %dma_wait3A_30 = tpu.memref_slice %arg3[%dma_wait3A_28, %dma_wait3A_29] : memref<100000x128xf32, #tpu.memory_space<hbm>> -> memref<200x128xf32, #tpu.memory_space<hbm>>
    %dma_wait3A_31 = arith.constant 0 : i32
    %dma_wait3A_32 = arith.constant 0 : i32
    %dma_wait3A_33 = tpu.memref_slice %arg3[%dma_wait3A_31, %dma_wait3A_32] : memref<100000x128xf32, #tpu.memory_space<hbm>> -> memref<200x128xf32, #tpu.memory_space<hbm>>
    tpu.wait_dma2 semaphore(%arg11 : memref<!tpu.dma_semaphore, #tpu.memory_space<semaphore_mem>>) src(%dma_wait3A_33 : memref<200x128xf32, #tpu.memory_space<hbm>>) dst(%arg7 : memref<200x128xf32, #tpu.memory_space<vmem>>)
    %add3A_34 = arith.constant 200 : i32
    %add3A_35 = arith.addi %mul3A_2, %add3A_34 : i32
    %dma_start3A_36 = arith.constant 0 : i32
    %dma_start3A_37 = tpu.memref_slice %arg4[%add3A_35, %dma_start3A_36] : memref<819200x128xf32, #tpu.memory_space<hbm>> -> memref<200x128xf32, #tpu.memory_space<hbm>>
    %dma_start3A_38 = arith.constant 0 : i32
    %dma_start3A_39 = tpu.memref_slice %arg4[%add3A_35, %dma_start3A_38] : memref<819200x128xf32, #tpu.memory_space<hbm>> -> memref<200x128xf32, #tpu.memory_space<hbm>>
    tpu.enqueue_dma source(%arg7 : memref<200x128xf32, #tpu.memory_space<vmem>>) target(%dma_start3A_39 : memref<200x128xf32, #tpu.memory_space<hbm>>) target_semaphore(%arg15 : memref<!tpu.dma_semaphore, #tpu.memory_space<semaphore_mem>>)
    %dma_start3A_40 = arith.constant 600 : i32
    %dma_start3A_41 = tpu.memref_slice %arg5[%dma_start3A_40] : memref<25600xi32, #tpu.memory_space<vmem>> -> memref<200xi32, #tpu.memory_space<vmem>>
    %dma_start3A_42 = arith.constant 0 : i32
    %dma_start3A_43 = arith.constant 0 : i32
    %dma_start3A_44 = tpu.memref_slice %arg3[%dma_start3A_42, %dma_start3A_43] : memref<100000x128xf32, #tpu.memory_space<hbm>> -> memref<100000x128xf32, #tpu.memory_space<hbm>>
    tpu.enqueue_indirect_dma source(%dma_start3A_44 : memref<100000x128xf32, #tpu.memory_space<hbm>>) target(%arg9 : memref<200x128xf32, #tpu.memory_space<vmem>>) offsets(%dma_start3A_41 : memref<200xi32, #tpu.memory_space<vmem>>) semaphore(%arg13 : memref<!tpu.dma_semaphore, #tpu.memory_space<semaphore_mem>>)
    %dma_wait3A_45 = arith.constant 0 : i32
    %dma_wait3A_46 = arith.constant 0 : i32
    %dma_wait3A_47 = tpu.memref_slice %arg3[%dma_wait3A_45, %dma_wait3A_46] : memref<100000x128xf32, #tpu.memory_space<hbm>> -> memref<200x128xf32, #tpu.memory_space<hbm>>
    %dma_wait3A_48 = arith.constant 0 : i32
    %dma_wait3A_49 = arith.constant 0 : i32
    %dma_wait3A_50 = tpu.memref_slice %arg3[%dma_wait3A_48, %dma_wait3A_49] : memref<100000x128xf32, #tpu.memory_space<hbm>> -> memref<200x128xf32, #tpu.memory_space<hbm>>
    tpu.wait_dma2 semaphore(%arg12 : memref<!tpu.dma_semaphore, #tpu.memory_space<semaphore_mem>>) src(%dma_wait3A_50 : memref<200x128xf32, #tpu.memory_space<hbm>>) dst(%arg8 : memref<200x128xf32, #tpu.memory_space<vmem>>)
    %add3A_51 = arith.constant 400 : i32
    %add3A_52 = arith.addi %mul3A_2, %add3A_51 : i32
    %dma_start3A_53 = arith.constant 0 : i32
    %dma_start3A_54 = tpu.memref_slice %arg4[%add3A_52, %dma_start3A_53] : memref<819200x128xf32, #tpu.memory_space<hbm>> -> memref<200x128xf32, #tpu.memory_space<hbm>>
    %dma_start3A_55 = arith.constant 0 : i32
    %dma_start3A_56 = tpu.memref_slice %arg4[%add3A_52, %dma_start3A_55] : memref<819200x128xf32, #tpu.memory_space<hbm>> -> memref<200x128xf32, #tpu.memory_space<hbm>>
    tpu.enqueue_dma source(%arg8 : memref<200x128xf32, #tpu.memory_space<vmem>>) target(%dma_start3A_56 : memref<200x128xf32, #tpu.memory_space<hbm>>) target_semaphore(%arg16 : memref<!tpu.dma_semaphore, #tpu.memory_space<semaphore_mem>>)
    %dma_wait3A_57 = arith.constant 0 : i32
    %dma_wait3A_58 = tpu.memref_slice %arg4[%mul3A_2, %dma_wait3A_57] : memref<819200x128xf32, #tpu.memory_space<hbm>> -> memref<200x128xf32, #tpu.memory_space<hbm>>
    %dma_wait3A_59 = arith.constant 0 : i32
    %dma_wait3A_60 = tpu.memref_slice %arg4[%mul3A_2, %dma_wait3A_59] : memref<819200x128xf32, #tpu.memory_space<hbm>> -> memref<200x128xf32, #tpu.memory_space<hbm>>
    tpu.wait_dma2 semaphore(%arg14 : memref<!tpu.dma_semaphore, #tpu.memory_space<semaphore_mem>>) src(%arg6 : memref<200x128xf32, #tpu.memory_space<vmem>>) dst(%dma_wait3A_60 : memref<200x128xf32, #tpu.memory_space<hbm>>)
    %dma_start3A_61 = arith.constant 800 : i32
    %dma_start3A_62 = tpu.memref_slice %arg5[%dma_start3A_61] : memref<25600xi32, #tpu.memory_space<vmem>> -> memref<200xi32, #tpu.memory_space<vmem>>
    %dma_start3A_63 = arith.constant 0 : i32
    %dma_start3A_64 = arith.constant 0 : i32
    %dma_start3A_65 = tpu.memref_slice %arg3[%dma_start3A_63, %dma_start3A_64] : memref<100000x128xf32, #tpu.memory_space<hbm>> -> memref<100000x128xf32, #tpu.memory_space<hbm>>
    tpu.enqueue_indirect_dma source(%dma_start3A_65 : memref<100000x128xf32, #tpu.memory_space<hbm>>) target(%arg6 : memref<200x128xf32, #tpu.memory_space<vmem>>) offsets(%dma_start3A_62 : memref<200xi32, #tpu.memory_space<vmem>>) semaphore(%arg10 : memref<!tpu.dma_semaphore, #tpu.memory_space<semaphore_mem>>)
    %dma_wait3A_66 = arith.constant 0 : i32
    %dma_wait3A_67 = arith.constant 0 : i32
    %dma_wait3A_68 = tpu.memref_slice %arg3[%dma_wait3A_66, %dma_wait3A_67] : memref<100000x128xf32, #tpu.memory_space<hbm>> -> memref<200x128xf32, #tpu.memory_space<hbm>>
    %dma_wait3A_69 = arith.constant 0 : i32
    %dma_wait3A_70 = arith.constant 0 : i32
    %dma_wait3A_71 = tpu.memref_slice %arg3[%dma_wait3A_69, %dma_wait3A_70] : memref<100000x128xf32, #tpu.memory_space<hbm>> -> memref<200x128xf32, #tpu.memory_space<hbm>>
    tpu.wait_dma2 semaphore(%arg13 : memref<!tpu.dma_semaphore, #tpu.memory_space<semaphore_mem>>) src(%dma_wait3A_71 : memref<200x128xf32, #tpu.memory_space<hbm>>) dst(%arg9 : memref<200x128xf32, #tpu.memory_space<vmem>>)
    %add3A_72 = arith.constant 600 : i32
    %add3A_73 = arith.addi %mul3A_2, %add3A_72 : i32
    %dma_start3A_74 = arith.constant 0 : i32
    %dma_start3A_75 = tpu.memref_slice %arg4[%add3A_73, %dma_start3A_74] : memref<819200x128xf32, #tpu.memory_space<hbm>> -> memref<200x128xf32, #tpu.memory_space<hbm>>
    %dma_start3A_76 = arith.constant 0 : i32
    %dma_start3A_77 = tpu.memref_slice %arg4[%add3A_73, %dma_start3A_76] : memref<819200x128xf32, #tpu.memory_space<hbm>> -> memref<200x128xf32, #tpu.memory_space<hbm>>
    tpu.enqueue_dma source(%arg9 : memref<200x128xf32, #tpu.memory_space<vmem>>) target(%dma_start3A_77 : memref<200x128xf32, #tpu.memory_space<hbm>>) target_semaphore(%arg17 : memref<!tpu.dma_semaphore, #tpu.memory_space<semaphore_mem>>)
    %dma_wait3A_78 = arith.constant 0 : i32
    %dma_wait3A_79 = tpu.memref_slice %arg4[%mul3A_2, %dma_wait3A_78] : memref<819200x128xf32, #tpu.memory_space<hbm>> -> memref<200x128xf32, #tpu.memory_space<hbm>>
    %dma_wait3A_80 = arith.constant 0 : i32
    %dma_wait3A_81 = tpu.memref_slice %arg4[%mul3A_2, %dma_wait3A_80] : memref<819200x128xf32, #tpu.memory_space<hbm>> -> memref<200x128xf32, #tpu.memory_space<hbm>>
    tpu.wait_dma2 semaphore(%arg15 : memref<!tpu.dma_semaphore, #tpu.memory_space<semaphore_mem>>) src(%arg7 : memref<200x128xf32, #tpu.memory_space<vmem>>) dst(%dma_wait3A_81 : memref<200x128xf32, #tpu.memory_space<hbm>>)
    %dma_start3A_82 = arith.constant 1000 : i32
    %dma_start3A_83 = tpu.memref_slice %arg5[%dma_start3A_82] : memref<25600xi32, #tpu.memory_space<vmem>> -> memref<200xi32, #tpu.memory_space<vmem>>
    %dma_start3A_84 = arith.constant 0 : i32
    %dma_start3A_85 = arith.constant 0 : i32
    %dma_start3A_86 = tpu.memref_slice %arg3[%dma_start3A_84, %dma_start3A_85] : memref<100000x128xf32, #tpu.memory_space<hbm>> -> memref<100000x128xf32, #tpu.memory_space<hbm>>
    tpu.enqueue_indirect_dma source(%dma_start3A_86 : memref<100000x128xf32, #tpu.memory_space<hbm>>) target(%arg7 : memref<200x128xf32, #tpu.memory_space<vmem>>) offsets(%dma_start3A_83 : memref<200xi32, #tpu.memory_space<vmem>>) semaphore(%arg11 : memref<!tpu.dma_semaphore, #tpu.memory_space<semaphore_mem>>)
    %scan3A = arith.constant 0 : i32
    %scan3A_87 = arith.constant 1 : i32
    %scan3A_88 = arith.constant 30 : i32
    %scan3A_89 = arith.addi %scan3A_87, %scan3A_88 : i32
    %scan3A_90 = arith.constant 1 : i32
    scf.for %scan3A_174 = %scan3A_87 to %scan3A_89 step %scan3A_90  : i32 {
      %mul3A_175 = arith.constant 4 : i32
      %mul3A_176 = arith.muli %scan3A_174, %mul3A_175 : i32
      %add3A_177 = arith.constant 0 : i32
      %add3A_178 = arith.addi %mul3A_176, %add3A_177 : i32
      %dma_wait3A_179 = arith.constant 0 : i32
      %dma_wait3A_180 = arith.constant 0 : i32
      %dma_wait3A_181 = tpu.memref_slice %arg3[%dma_wait3A_179, %dma_wait3A_180] : memref<100000x128xf32, #tpu.memory_space<hbm>> -> memref<200x128xf32, #tpu.memory_space<hbm>>
      %dma_wait3A_182 = arith.constant 0 : i32
      %dma_wait3A_183 = arith.constant 0 : i32
      %dma_wait3A_184 = tpu.memref_slice %arg3[%dma_wait3A_182, %dma_wait3A_183] : memref<100000x128xf32, #tpu.memory_space<hbm>> -> memref<200x128xf32, #tpu.memory_space<hbm>>
      tpu.wait_dma2 semaphore(%arg10 : memref<!tpu.dma_semaphore, #tpu.memory_space<semaphore_mem>>) src(%dma_wait3A_184 : memref<200x128xf32, #tpu.memory_space<hbm>>) dst(%arg6 : memref<200x128xf32, #tpu.memory_space<vmem>>)
      %mul3A_185 = arith.constant 200 : i32
      %mul3A_186 = arith.muli %add3A_178, %mul3A_185 : i32
      %add3A_187 = arith.addi %mul3A_2, %mul3A_186 : i32
      %dma_start3A_188 = arith.constant 0 : i32
      %dma_start3A_189 = tpu.memref_slice %arg4[%add3A_187, %dma_start3A_188] : memref<819200x128xf32, #tpu.memory_space<hbm>> -> memref<200x128xf32, #tpu.memory_space<hbm>>
      %dma_start3A_190 = arith.constant 0 : i32
      %dma_start3A_191 = tpu.memref_slice %arg4[%add3A_187, %dma_start3A_190] : memref<819200x128xf32, #tpu.memory_space<hbm>> -> memref<200x128xf32, #tpu.memory_space<hbm>>
      tpu.enqueue_dma source(%arg6 : memref<200x128xf32, #tpu.memory_space<vmem>>) target(%dma_start3A_191 : memref<200x128xf32, #tpu.memory_space<hbm>>) target_semaphore(%arg14 : memref<!tpu.dma_semaphore, #tpu.memory_space<semaphore_mem>>)
      %dma_wait3A_192 = arith.constant 0 : i32
      %dma_wait3A_193 = tpu.memref_slice %arg4[%mul3A_2, %dma_wait3A_192] : memref<819200x128xf32, #tpu.memory_space<hbm>> -> memref<200x128xf32, #tpu.memory_space<hbm>>
      %dma_wait3A_194 = arith.constant 0 : i32
      %dma_wait3A_195 = tpu.memref_slice %arg4[%mul3A_2, %dma_wait3A_194] : memref<819200x128xf32, #tpu.memory_space<hbm>> -> memref<200x128xf32, #tpu.memory_space<hbm>>
      tpu.wait_dma2 semaphore(%arg16 : memref<!tpu.dma_semaphore, #tpu.memory_space<semaphore_mem>>) src(%arg8 : memref<200x128xf32, #tpu.memory_space<vmem>>) dst(%dma_wait3A_195 : memref<200x128xf32, #tpu.memory_space<hbm>>)
      %add3A_196 = arith.constant 2 : i32
      %add3A_197 = arith.addi %add3A_178, %add3A_196 : i32
      %mul3A_198 = arith.constant 200 : i32
      %mul3A_199 = arith.muli %add3A_197, %mul3A_198 : i32
      %dma_start3A_200 = tpu.memref_slice %arg5[%mul3A_199] : memref<25600xi32, #tpu.memory_space<vmem>> -> memref<200xi32, #tpu.memory_space<vmem>>
      %dma_start3A_201 = arith.constant 0 : i32
      %dma_start3A_202 = arith.constant 0 : i32
      %dma_start3A_203 = tpu.memref_slice %arg3[%dma_start3A_201, %dma_start3A_202] : memref<100000x128xf32, #tpu.memory_space<hbm>> -> memref<100000x128xf32, #tpu.memory_space<hbm>>
      tpu.enqueue_indirect_dma source(%dma_start3A_203 : memref<100000x128xf32, #tpu.memory_space<hbm>>) target(%arg8 : memref<200x128xf32, #tpu.memory_space<vmem>>) offsets(%dma_start3A_200 : memref<200xi32, #tpu.memory_space<vmem>>) semaphore(%arg12 : memref<!tpu.dma_semaphore, #tpu.memory_space<semaphore_mem>>)
      %mul3A_204 = arith.constant 4 : i32
      %mul3A_205 = arith.muli %scan3A_174, %mul3A_204 : i32
      %add3A_206 = arith.constant 1 : i32
      %add3A_207 = arith.addi %mul3A_205, %add3A_206 : i32
      %dma_wait3A_208 = arith.constant 0 : i32
      %dma_wait3A_209 = arith.constant 0 : i32
      %dma_wait3A_210 = tpu.memref_slice %arg3[%dma_wait3A_208, %dma_wait3A_209] : memref<100000x128xf32, #tpu.memory_space<hbm>> -> memref<200x128xf32, #tpu.memory_space<hbm>>
      %dma_wait3A_211 = arith.constant 0 : i32
      %dma_wait3A_212 = arith.constant 0 : i32
      %dma_wait3A_213 = tpu.memref_slice %arg3[%dma_wait3A_211, %dma_wait3A_212] : memref<100000x128xf32, #tpu.memory_space<hbm>> -> memref<200x128xf32, #tpu.memory_space<hbm>>
      tpu.wait_dma2 semaphore(%arg11 : memref<!tpu.dma_semaphore, #tpu.memory_space<semaphore_mem>>) src(%dma_wait3A_213 : memref<200x128xf32, #tpu.memory_space<hbm>>) dst(%arg7 : memref<200x128xf32, #tpu.memory_space<vmem>>)
      %mul3A_214 = arith.constant 200 : i32
      %mul3A_215 = arith.muli %add3A_207, %mul3A_214 : i32
      %add3A_216 = arith.addi %mul3A_2, %mul3A_215 : i32
      %dma_start3A_217 = arith.constant 0 : i32
      %dma_start3A_218 = tpu.memref_slice %arg4[%add3A_216, %dma_start3A_217] : memref<819200x128xf32, #tpu.memory_space<hbm>> -> memref<200x128xf32, #tpu.memory_space<hbm>>
      %dma_start3A_219 = arith.constant 0 : i32
      %dma_start3A_220 = tpu.memref_slice %arg4[%add3A_216, %dma_start3A_219] : memref<819200x128xf32, #tpu.memory_space<hbm>> -> memref<200x128xf32, #tpu.memory_space<hbm>>
      tpu.enqueue_dma source(%arg7 : memref<200x128xf32, #tpu.memory_space<vmem>>) target(%dma_start3A_220 : memref<200x128xf32, #tpu.memory_space<hbm>>) target_semaphore(%arg15 : memref<!tpu.dma_semaphore, #tpu.memory_space<semaphore_mem>>)
      %dma_wait3A_221 = arith.constant 0 : i32
      %dma_wait3A_222 = tpu.memref_slice %arg4[%mul3A_2, %dma_wait3A_221] : memref<819200x128xf32, #tpu.memory_space<hbm>> -> memref<200x128xf32, #tpu.memory_space<hbm>>
      %dma_wait3A_223 = arith.constant 0 : i32
      %dma_wait3A_224 = tpu.memref_slice %arg4[%mul3A_2, %dma_wait3A_223] : memref<819200x128xf32, #tpu.memory_space<hbm>> -> memref<200x128xf32, #tpu.memory_space<hbm>>
      tpu.wait_dma2 semaphore(%arg17 : memref<!tpu.dma_semaphore, #tpu.memory_space<semaphore_mem>>) src(%arg9 : memref<200x128xf32, #tpu.memory_space<vmem>>) dst(%dma_wait3A_224 : memref<200x128xf32, #tpu.memory_space<hbm>>)
      %add3A_225 = arith.constant 2 : i32
      %add3A_226 = arith.addi %add3A_207, %add3A_225 : i32
      %mul3A_227 = arith.constant 200 : i32
      %mul3A_228 = arith.muli %add3A_226, %mul3A_227 : i32
      %dma_start3A_229 = tpu.memref_slice %arg5[%mul3A_228] : memref<25600xi32, #tpu.memory_space<vmem>> -> memref<200xi32, #tpu.memory_space<vmem>>
      %dma_start3A_230 = arith.constant 0 : i32
      %dma_start3A_231 = arith.constant 0 : i32
      %dma_start3A_232 = tpu.memref_slice %arg3[%dma_start3A_230, %dma_start3A_231] : memref<100000x128xf32, #tpu.memory_space<hbm>> -> memref<100000x128xf32, #tpu.memory_space<hbm>>
      tpu.enqueue_indirect_dma source(%dma_start3A_232 : memref<100000x128xf32, #tpu.memory_space<hbm>>) target(%arg9 : memref<200x128xf32, #tpu.memory_space<vmem>>) offsets(%dma_start3A_229 : memref<200xi32, #tpu.memory_space<vmem>>) semaphore(%arg13 : memref<!tpu.dma_semaphore, #tpu.memory_space<semaphore_mem>>)
      %mul3A_233 = arith.constant 4 : i32
      %mul3A_234 = arith.muli %scan3A_174, %mul3A_233 : i32
      %add3A_235 = arith.constant 2 : i32
      %add3A_236 = arith.addi %mul3A_234, %add3A_235 : i32
      %dma_wait3A_237 = arith.constant 0 : i32
      %dma_wait3A_238 = arith.constant 0 : i32
      %dma_wait3A_239 = tpu.memref_slice %arg3[%dma_wait3A_237, %dma_wait3A_238] : memref<100000x128xf32, #tpu.memory_space<hbm>> -> memref<200x128xf32, #tpu.memory_space<hbm>>
      %dma_wait3A_240 = arith.constant 0 : i32
      %dma_wait3A_241 = arith.constant 0 : i32
      %dma_wait3A_242 = tpu.memref_slice %arg3[%dma_wait3A_240, %dma_wait3A_241] : memref<100000x128xf32, #tpu.memory_space<hbm>> -> memref<200x128xf32, #tpu.memory_space<hbm>>
      tpu.wait_dma2 semaphore(%arg12 : memref<!tpu.dma_semaphore, #tpu.memory_space<semaphore_mem>>) src(%dma_wait3A_242 : memref<200x128xf32, #tpu.memory_space<hbm>>) dst(%arg8 : memref<200x128xf32, #tpu.memory_space<vmem>>)
      %mul3A_243 = arith.constant 200 : i32
      %mul3A_244 = arith.muli %add3A_236, %mul3A_243 : i32
      %add3A_245 = arith.addi %mul3A_2, %mul3A_244 : i32
      %dma_start3A_246 = arith.constant 0 : i32
      %dma_start3A_247 = tpu.memref_slice %arg4[%add3A_245, %dma_start3A_246] : memref<819200x128xf32, #tpu.memory_space<hbm>> -> memref<200x128xf32, #tpu.memory_space<hbm>>
      %dma_start3A_248 = arith.constant 0 : i32
      %dma_start3A_249 = tpu.memref_slice %arg4[%add3A_245, %dma_start3A_248] : memref<819200x128xf32, #tpu.memory_space<hbm>> -> memref<200x128xf32, #tpu.memory_space<hbm>>
      tpu.enqueue_dma source(%arg8 : memref<200x128xf32, #tpu.memory_space<vmem>>) target(%dma_start3A_249 : memref<200x128xf32, #tpu.memory_space<hbm>>) target_semaphore(%arg16 : memref<!tpu.dma_semaphore, #tpu.memory_space<semaphore_mem>>)
      %dma_wait3A_250 = arith.constant 0 : i32
      %dma_wait3A_251 = tpu.memref_slice %arg4[%mul3A_2, %dma_wait3A_250] : memref<819200x128xf32, #tpu.memory_space<hbm>> -> memref<200x128xf32, #tpu.memory_space<hbm>>
      %dma_wait3A_252 = arith.constant 0 : i32
      %dma_wait3A_253 = tpu.memref_slice %arg4[%mul3A_2, %dma_wait3A_252] : memref<819200x128xf32, #tpu.memory_space<hbm>> -> memref<200x128xf32, #tpu.memory_space<hbm>>
      tpu.wait_dma2 semaphore(%arg14 : memref<!tpu.dma_semaphore, #tpu.memory_space<semaphore_mem>>) src(%arg6 : memref<200x128xf32, #tpu.memory_space<vmem>>) dst(%dma_wait3A_253 : memref<200x128xf32, #tpu.memory_space<hbm>>)
      %add3A_254 = arith.constant 2 : i32
      %add3A_255 = arith.addi %add3A_236, %add3A_254 : i32
      %mul3A_256 = arith.constant 200 : i32
      %mul3A_257 = arith.muli %add3A_255, %mul3A_256 : i32
      %dma_start3A_258 = tpu.memref_slice %arg5[%mul3A_257] : memref<25600xi32, #tpu.memory_space<vmem>> -> memref<200xi32, #tpu.memory_space<vmem>>
      %dma_start3A_259 = arith.constant 0 : i32
      %dma_start3A_260 = arith.constant 0 : i32
      %dma_start3A_261 = tpu.memref_slice %arg3[%dma_start3A_259, %dma_start3A_260] : memref<100000x128xf32, #tpu.memory_space<hbm>> -> memref<100000x128xf32, #tpu.memory_space<hbm>>
      tpu.enqueue_indirect_dma source(%dma_start3A_261 : memref<100000x128xf32, #tpu.memory_space<hbm>>) target(%arg6 : memref<200x128xf32, #tpu.memory_space<vmem>>) offsets(%dma_start3A_258 : memref<200xi32, #tpu.memory_space<vmem>>) semaphore(%arg10 : memref<!tpu.dma_semaphore, #tpu.memory_space<semaphore_mem>>)
      %mul3A_262 = arith.constant 4 : i32
      %mul3A_263 = arith.muli %scan3A_174, %mul3A_262 : i32
      %add3A_264 = arith.constant 3 : i32
      %add3A_265 = arith.addi %mul3A_263, %add3A_264 : i32
      %dma_wait3A_266 = arith.constant 0 : i32
      %dma_wait3A_267 = arith.constant 0 : i32
      %dma_wait3A_268 = tpu.memref_slice %arg3[%dma_wait3A_266, %dma_wait3A_267] : memref<100000x128xf32, #tpu.memory_space<hbm>> -> memref<200x128xf32, #tpu.memory_space<hbm>>
      %dma_wait3A_269 = arith.constant 0 : i32
      %dma_wait3A_270 = arith.constant 0 : i32
      %dma_wait3A_271 = tpu.memref_slice %arg3[%dma_wait3A_269, %dma_wait3A_270] : memref<100000x128xf32, #tpu.memory_space<hbm>> -> memref<200x128xf32, #tpu.memory_space<hbm>>
      tpu.wait_dma2 semaphore(%arg13 : memref<!tpu.dma_semaphore, #tpu.memory_space<semaphore_mem>>) src(%dma_wait3A_271 : memref<200x128xf32, #tpu.memory_space<hbm>>) dst(%arg9 : memref<200x128xf32, #tpu.memory_space<vmem>>)
      %mul3A_272 = arith.constant 200 : i32
      %mul3A_273 = arith.muli %add3A_265, %mul3A_272 : i32
      %add3A_274 = arith.addi %mul3A_2, %mul3A_273 : i32
      %dma_start3A_275 = arith.constant 0 : i32
      %dma_start3A_276 = tpu.memref_slice %arg4[%add3A_274, %dma_start3A_275] : memref<819200x128xf32, #tpu.memory_space<hbm>> -> memref<200x128xf32, #tpu.memory_space<hbm>>
      %dma_start3A_277 = arith.constant 0 : i32
      %dma_start3A_278 = tpu.memref_slice %arg4[%add3A_274, %dma_start3A_277] : memref<819200x128xf32, #tpu.memory_space<hbm>> -> memref<200x128xf32, #tpu.memory_space<hbm>>
      tpu.enqueue_dma source(%arg9 : memref<200x128xf32, #tpu.memory_space<vmem>>) target(%dma_start3A_278 : memref<200x128xf32, #tpu.memory_space<hbm>>) target_semaphore(%arg17 : memref<!tpu.dma_semaphore, #tpu.memory_space<semaphore_mem>>)
      %dma_wait3A_279 = arith.constant 0 : i32
      %dma_wait3A_280 = tpu.memref_slice %arg4[%mul3A_2, %dma_wait3A_279] : memref<819200x128xf32, #tpu.memory_space<hbm>> -> memref<200x128xf32, #tpu.memory_space<hbm>>
      %dma_wait3A_281 = arith.constant 0 : i32
      %dma_wait3A_282 = tpu.memref_slice %arg4[%mul3A_2, %dma_wait3A_281] : memref<819200x128xf32, #tpu.memory_space<hbm>> -> memref<200x128xf32, #tpu.memory_space<hbm>>
      tpu.wait_dma2 semaphore(%arg15 : memref<!tpu.dma_semaphore, #tpu.memory_space<semaphore_mem>>) src(%arg7 : memref<200x128xf32, #tpu.memory_space<vmem>>) dst(%dma_wait3A_282 : memref<200x128xf32, #tpu.memory_space<hbm>>)
      %add3A_283 = arith.constant 2 : i32
      %add3A_284 = arith.addi %add3A_265, %add3A_283 : i32
      %mul3A_285 = arith.constant 200 : i32
      %mul3A_286 = arith.muli %add3A_284, %mul3A_285 : i32
      %dma_start3A_287 = tpu.memref_slice %arg5[%mul3A_286] : memref<25600xi32, #tpu.memory_space<vmem>> -> memref<200xi32, #tpu.memory_space<vmem>>
      %dma_start3A_288 = arith.constant 0 : i32
      %dma_start3A_289 = arith.constant 0 : i32
      %dma_start3A_290 = tpu.memref_slice %arg3[%dma_start3A_288, %dma_start3A_289] : memref<100000x128xf32, #tpu.memory_space<hbm>> -> memref<100000x128xf32, #tpu.memory_space<hbm>>
      tpu.enqueue_indirect_dma source(%dma_start3A_290 : memref<100000x128xf32, #tpu.memory_space<hbm>>) target(%arg7 : memref<200x128xf32, #tpu.memory_space<vmem>>) offsets(%dma_start3A_287 : memref<200xi32, #tpu.memory_space<vmem>>) semaphore(%arg11 : memref<!tpu.dma_semaphore, #tpu.memory_space<semaphore_mem>>)
    }
    %scan3A_91 = arith.constant 30 : i32
    %dma_wait3A_92 = arith.constant 0 : i32
    %dma_wait3A_93 = arith.constant 0 : i32
    %dma_wait3A_94 = tpu.memref_slice %arg3[%dma_wait3A_92, %dma_wait3A_93] : memref<100000x128xf32, #tpu.memory_space<hbm>> -> memref<200x128xf32, #tpu.memory_space<hbm>>
    %dma_wait3A_95 = arith.constant 0 : i32
    %dma_wait3A_96 = arith.constant 0 : i32
    %dma_wait3A_97 = tpu.memref_slice %arg3[%dma_wait3A_95, %dma_wait3A_96] : memref<100000x128xf32, #tpu.memory_space<hbm>> -> memref<200x128xf32, #tpu.memory_space<hbm>>
    tpu.wait_dma2 semaphore(%arg10 : memref<!tpu.dma_semaphore, #tpu.memory_space<semaphore_mem>>) src(%dma_wait3A_97 : memref<200x128xf32, #tpu.memory_space<hbm>>) dst(%arg6 : memref<200x128xf32, #tpu.memory_space<vmem>>)
    %add3A_98 = arith.constant 24800 : i32
    %add3A_99 = arith.addi %mul3A_2, %add3A_98 : i32
    %dma_start3A_100 = arith.constant 0 : i32
    %dma_start3A_101 = tpu.memref_slice %arg4[%add3A_99, %dma_start3A_100] : memref<819200x128xf32, #tpu.memory_space<hbm>> -> memref<200x128xf32, #tpu.memory_space<hbm>>
    %dma_start3A_102 = arith.constant 0 : i32
    %dma_start3A_103 = tpu.memref_slice %arg4[%add3A_99, %dma_start3A_102] : memref<819200x128xf32, #tpu.memory_space<hbm>> -> memref<200x128xf32, #tpu.memory_space<hbm>>
    tpu.enqueue_dma source(%arg6 : memref<200x128xf32, #tpu.memory_space<vmem>>) target(%dma_start3A_103 : memref<200x128xf32, #tpu.memory_space<hbm>>) target_semaphore(%arg14 : memref<!tpu.dma_semaphore, #tpu.memory_space<semaphore_mem>>)
    %dma_wait3A_104 = arith.constant 0 : i32
    %dma_wait3A_105 = tpu.memref_slice %arg4[%mul3A_2, %dma_wait3A_104] : memref<819200x128xf32, #tpu.memory_space<hbm>> -> memref<200x128xf32, #tpu.memory_space<hbm>>
    %dma_wait3A_106 = arith.constant 0 : i32
    %dma_wait3A_107 = tpu.memref_slice %arg4[%mul3A_2, %dma_wait3A_106] : memref<819200x128xf32, #tpu.memory_space<hbm>> -> memref<200x128xf32, #tpu.memory_space<hbm>>
    tpu.wait_dma2 semaphore(%arg16 : memref<!tpu.dma_semaphore, #tpu.memory_space<semaphore_mem>>) src(%arg8 : memref<200x128xf32, #tpu.memory_space<vmem>>) dst(%dma_wait3A_107 : memref<200x128xf32, #tpu.memory_space<hbm>>)
    %dma_start3A_108 = arith.constant 25200 : i32
    %dma_start3A_109 = tpu.memref_slice %arg5[%dma_start3A_108] : memref<25600xi32, #tpu.memory_space<vmem>> -> memref<200xi32, #tpu.memory_space<vmem>>
    %dma_start3A_110 = arith.constant 0 : i32
    %dma_start3A_111 = arith.constant 0 : i32
    %dma_start3A_112 = tpu.memref_slice %arg3[%dma_start3A_110, %dma_start3A_111] : memref<100000x128xf32, #tpu.memory_space<hbm>> -> memref<100000x128xf32, #tpu.memory_space<hbm>>
    tpu.enqueue_indirect_dma source(%dma_start3A_112 : memref<100000x128xf32, #tpu.memory_space<hbm>>) target(%arg8 : memref<200x128xf32, #tpu.memory_space<vmem>>) offsets(%dma_start3A_109 : memref<200xi32, #tpu.memory_space<vmem>>) semaphore(%arg12 : memref<!tpu.dma_semaphore, #tpu.memory_space<semaphore_mem>>)
    %dma_wait3A_113 = arith.constant 0 : i32
    %dma_wait3A_114 = arith.constant 0 : i32
    %dma_wait3A_115 = tpu.memref_slice %arg3[%dma_wait3A_113, %dma_wait3A_114] : memref<100000x128xf32, #tpu.memory_space<hbm>> -> memref<200x128xf32, #tpu.memory_space<hbm>>
    %dma_wait3A_116 = arith.constant 0 : i32
    %dma_wait3A_117 = arith.constant 0 : i32
    %dma_wait3A_118 = tpu.memref_slice %arg3[%dma_wait3A_116, %dma_wait3A_117] : memref<100000x128xf32, #tpu.memory_space<hbm>> -> memref<200x128xf32, #tpu.memory_space<hbm>>
    tpu.wait_dma2 semaphore(%arg11 : memref<!tpu.dma_semaphore, #tpu.memory_space<semaphore_mem>>) src(%dma_wait3A_118 : memref<200x128xf32, #tpu.memory_space<hbm>>) dst(%arg7 : memref<200x128xf32, #tpu.memory_space<vmem>>)
    %add3A_119 = arith.constant 25000 : i32
    %add3A_120 = arith.addi %mul3A_2, %add3A_119 : i32
    %dma_start3A_121 = arith.constant 0 : i32
    %dma_start3A_122 = tpu.memref_slice %arg4[%add3A_120, %dma_start3A_121] : memref<819200x128xf32, #tpu.memory_space<hbm>> -> memref<200x128xf32, #tpu.memory_space<hbm>>
    %dma_start3A_123 = arith.constant 0 : i32
    %dma_start3A_124 = tpu.memref_slice %arg4[%add3A_120, %dma_start3A_123] : memref<819200x128xf32, #tpu.memory_space<hbm>> -> memref<200x128xf32, #tpu.memory_space<hbm>>
    tpu.enqueue_dma source(%arg7 : memref<200x128xf32, #tpu.memory_space<vmem>>) target(%dma_start3A_124 : memref<200x128xf32, #tpu.memory_space<hbm>>) target_semaphore(%arg15 : memref<!tpu.dma_semaphore, #tpu.memory_space<semaphore_mem>>)
    %dma_wait3A_125 = arith.constant 0 : i32
    %dma_wait3A_126 = tpu.memref_slice %arg4[%mul3A_2, %dma_wait3A_125] : memref<819200x128xf32, #tpu.memory_space<hbm>> -> memref<200x128xf32, #tpu.memory_space<hbm>>
    %dma_wait3A_127 = arith.constant 0 : i32
    %dma_wait3A_128 = tpu.memref_slice %arg4[%mul3A_2, %dma_wait3A_127] : memref<819200x128xf32, #tpu.memory_space<hbm>> -> memref<200x128xf32, #tpu.memory_space<hbm>>
    tpu.wait_dma2 semaphore(%arg17 : memref<!tpu.dma_semaphore, #tpu.memory_space<semaphore_mem>>) src(%arg9 : memref<200x128xf32, #tpu.memory_space<vmem>>) dst(%dma_wait3A_128 : memref<200x128xf32, #tpu.memory_space<hbm>>)
    %dma_start3A_129 = arith.constant 25400 : i32
    %dma_start3A_130 = tpu.memref_slice %arg5[%dma_start3A_129] : memref<25600xi32, #tpu.memory_space<vmem>> -> memref<200xi32, #tpu.memory_space<vmem>>
    %dma_start3A_131 = arith.constant 0 : i32
    %dma_start3A_132 = arith.constant 0 : i32
    %dma_start3A_133 = tpu.memref_slice %arg3[%dma_start3A_131, %dma_start3A_132] : memref<100000x128xf32, #tpu.memory_space<hbm>> -> memref<100000x128xf32, #tpu.memory_space<hbm>>
    tpu.enqueue_indirect_dma source(%dma_start3A_133 : memref<100000x128xf32, #tpu.memory_space<hbm>>) target(%arg9 : memref<200x128xf32, #tpu.memory_space<vmem>>) offsets(%dma_start3A_130 : memref<200xi32, #tpu.memory_space<vmem>>) semaphore(%arg13 : memref<!tpu.dma_semaphore, #tpu.memory_space<semaphore_mem>>)
    %dma_wait3A_134 = arith.constant 0 : i32
    %dma_wait3A_135 = arith.constant 0 : i32
    %dma_wait3A_136 = tpu.memref_slice %arg3[%dma_wait3A_134, %dma_wait3A_135] : memref<100000x128xf32, #tpu.memory_space<hbm>> -> memref<200x128xf32, #tpu.memory_space<hbm>>
    %dma_wait3A_137 = arith.constant 0 : i32
    %dma_wait3A_138 = arith.constant 0 : i32
    %dma_wait3A_139 = tpu.memref_slice %arg3[%dma_wait3A_137, %dma_wait3A_138] : memref<100000x128xf32, #tpu.memory_space<hbm>> -> memref<200x128xf32, #tpu.memory_space<hbm>>
    tpu.wait_dma2 semaphore(%arg12 : memref<!tpu.dma_semaphore, #tpu.memory_space<semaphore_mem>>) src(%dma_wait3A_139 : memref<200x128xf32, #tpu.memory_space<hbm>>) dst(%arg8 : memref<200x128xf32, #tpu.memory_space<vmem>>)
    %add3A_140 = arith.constant 25200 : i32
    %add3A_141 = arith.addi %mul3A_2, %add3A_140 : i32
    %dma_start3A_142 = arith.constant 0 : i32
    %dma_start3A_143 = tpu.memref_slice %arg4[%add3A_141, %dma_start3A_142] : memref<819200x128xf32, #tpu.memory_space<hbm>> -> memref<200x128xf32, #tpu.memory_space<hbm>>
    %dma_start3A_144 = arith.constant 0 : i32
    %dma_start3A_145 = tpu.memref_slice %arg4[%add3A_141, %dma_start3A_144] : memref<819200x128xf32, #tpu.memory_space<hbm>> -> memref<200x128xf32, #tpu.memory_space<hbm>>
    tpu.enqueue_dma source(%arg8 : memref<200x128xf32, #tpu.memory_space<vmem>>) target(%dma_start3A_145 : memref<200x128xf32, #tpu.memory_space<hbm>>) target_semaphore(%arg16 : memref<!tpu.dma_semaphore, #tpu.memory_space<semaphore_mem>>)
    %dma_wait3A_146 = arith.constant 0 : i32
    %dma_wait3A_147 = arith.constant 0 : i32
    %dma_wait3A_148 = tpu.memref_slice %arg3[%dma_wait3A_146, %dma_wait3A_147] : memref<100000x128xf32, #tpu.memory_space<hbm>> -> memref<200x128xf32, #tpu.memory_space<hbm>>
    %dma_wait3A_149 = arith.constant 0 : i32
    %dma_wait3A_150 = arith.constant 0 : i32
    %dma_wait3A_151 = tpu.memref_slice %arg3[%dma_wait3A_149, %dma_wait3A_150] : memref<100000x128xf32, #tpu.memory_space<hbm>> -> memref<200x128xf32, #tpu.memory_space<hbm>>
    tpu.wait_dma2 semaphore(%arg13 : memref<!tpu.dma_semaphore, #tpu.memory_space<semaphore_mem>>) src(%dma_wait3A_151 : memref<200x128xf32, #tpu.memory_space<hbm>>) dst(%arg9 : memref<200x128xf32, #tpu.memory_space<vmem>>)
    %add3A_152 = arith.constant 25400 : i32
    %add3A_153 = arith.addi %mul3A_2, %add3A_152 : i32
    %dma_start3A_154 = arith.constant 0 : i32
    %dma_start3A_155 = tpu.memref_slice %arg4[%add3A_153, %dma_start3A_154] : memref<819200x128xf32, #tpu.memory_space<hbm>> -> memref<200x128xf32, #tpu.memory_space<hbm>>
    %dma_start3A_156 = arith.constant 0 : i32
    %dma_start3A_157 = tpu.memref_slice %arg4[%add3A_153, %dma_start3A_156] : memref<819200x128xf32, #tpu.memory_space<hbm>> -> memref<200x128xf32, #tpu.memory_space<hbm>>
    tpu.enqueue_dma source(%arg9 : memref<200x128xf32, #tpu.memory_space<vmem>>) target(%dma_start3A_157 : memref<200x128xf32, #tpu.memory_space<hbm>>) target_semaphore(%arg17 : memref<!tpu.dma_semaphore, #tpu.memory_space<semaphore_mem>>)
    %dma_wait3A_158 = arith.constant 0 : i32
    %dma_wait3A_159 = tpu.memref_slice %arg4[%mul3A_2, %dma_wait3A_158] : memref<819200x128xf32, #tpu.memory_space<hbm>> -> memref<200x128xf32, #tpu.memory_space<hbm>>
    %dma_wait3A_160 = arith.constant 0 : i32
    %dma_wait3A_161 = tpu.memref_slice %arg4[%mul3A_2, %dma_wait3A_160] : memref<819200x128xf32, #tpu.memory_space<hbm>> -> memref<200x128xf32, #tpu.memory_space<hbm>>
    tpu.wait_dma2 semaphore(%arg14 : memref<!tpu.dma_semaphore, #tpu.memory_space<semaphore_mem>>) src(%arg6 : memref<200x128xf32, #tpu.memory_space<vmem>>) dst(%dma_wait3A_161 : memref<200x128xf32, #tpu.memory_space<hbm>>)
    %dma_wait3A_162 = arith.constant 0 : i32
    %dma_wait3A_163 = tpu.memref_slice %arg4[%mul3A_2, %dma_wait3A_162] : memref<819200x128xf32, #tpu.memory_space<hbm>> -> memref<200x128xf32, #tpu.memory_space<hbm>>
    %dma_wait3A_164 = arith.constant 0 : i32
    %dma_wait3A_165 = tpu.memref_slice %arg4[%mul3A_2, %dma_wait3A_164] : memref<819200x128xf32, #tpu.memory_space<hbm>> -> memref<200x128xf32, #tpu.memory_space<hbm>>
    tpu.wait_dma2 semaphore(%arg15 : memref<!tpu.dma_semaphore, #tpu.memory_space<semaphore_mem>>) src(%arg7 : memref<200x128xf32, #tpu.memory_space<vmem>>) dst(%dma_wait3A_165 : memref<200x128xf32, #tpu.memory_space<hbm>>)
    %dma_wait3A_166 = arith.constant 0 : i32
    %dma_wait3A_167 = tpu.memref_slice %arg4[%mul3A_2, %dma_wait3A_166] : memref<819200x128xf32, #tpu.memory_space<hbm>> -> memref<200x128xf32, #tpu.memory_space<hbm>>
    %dma_wait3A_168 = arith.constant 0 : i32
    %dma_wait3A_169 = tpu.memref_slice %arg4[%mul3A_2, %dma_wait3A_168] : memref<819200x128xf32, #tpu.memory_space<hbm>> -> memref<200x128xf32, #tpu.memory_space<hbm>>
    tpu.wait_dma2 semaphore(%arg16 : memref<!tpu.dma_semaphore, #tpu.memory_space<semaphore_mem>>) src(%arg8 : memref<200x128xf32, #tpu.memory_space<vmem>>) dst(%dma_wait3A_169 : memref<200x128xf32, #tpu.memory_space<hbm>>)
    %dma_wait3A_170 = arith.constant 0 : i32
    %dma_wait3A_171 = tpu.memref_slice %arg4[%mul3A_2, %dma_wait3A_170] : memref<819200x128xf32, #tpu.memory_space<hbm>> -> memref<200x128xf32, #tpu.memory_space<hbm>>
    %dma_wait3A_172 = arith.constant 0 : i32
    %dma_wait3A_173 = tpu.memref_slice %arg4[%mul3A_2, %dma_wait3A_172] : memref<819200x128xf32, #tpu.memory_space<hbm>> -> memref<200x128xf32, #tpu.memory_space<hbm>>
    tpu.wait_dma2 semaphore(%arg17 : memref<!tpu.dma_semaphore, #tpu.memory_space<semaphore_mem>>) src(%arg9 : memref<200x128xf32, #tpu.memory_space<vmem>>) dst(%dma_wait3A_173 : memref<200x128xf32, #tpu.memory_space<hbm>>)
    return
  }
}

</mosaic_0001>

<sc_bundles>
// kernel: kernel.3.cloned.1.call-start
scs
__scs_entry_jumppad:
0x0: {  	(pc) =	sbr.rel $0x88, $3  }
0x1: {  	(tag) =	ssettag $0x0;
	lr =	simm.s32 $0x1  }
0x2: {  	[smem:$0x3F9F] =	sst lr;
	_ =	strace $0xD0000000  }
0x3: {  	_ = 	snop  }
0x4: {  	_ = 	snop  }
0x5: {  	_ = 	snop  }
0x6: {  	_ = 	snop  }
0x7: {  	_ = 	snop  }
__scs_overlays_trampoline_lowered:
0x8: {  	[smem:$0x3FAE] =	sst s0  }
0x9: {  	[smem:$0x3FAF] =	sst s1  }
0xa: {  	[smem:$0x3FB0] =	sst s2  }
0xb: {  	[smem:$0x3FB1] =	sst s3  }
0xc: {  	[smem:$0x3FB2] =	sst s4  }
0xd: {  	[smem:$0x3FB3] =	sst s5  }
0xe: {  	[smem:$0x3FB4] =	sst s6  }
0xf: {  	[smem:$0x3FB5] =	sst s7  }
0x10: {  	[smem:$0x3FB6] =	sst s8  }
0x11: {  	[smem:$0x3FB7] =	sst s9;
	s0 =	simm.s32 @!p0 $0x0  }
0x12: {  	s1 =	sld [smem:$0x3F9D];
	s0 =	simm.s32 @p0 $0x1  }
0x13: {  	[smem:$0x3FB8] =	sst s0;
	s0 =	simm.s32 @!p1 $0x0  }
0x14: {  	s2 =	sld [smem:$0x3F9C];
	s0 =	simm.s32 @p1 $0x1  }
0x15: {  	[smem:$0x3FB9] =	sst s0;
	s0 =	simm.s32 @!p2 $0x0  }
0x16: {  	s3 =	sld [smem:$0x3FDB];
	s0 =	simm.s32 @p2 $0x1  }
0x17: {  	s4 =	simm.s32 $0x1BF5;
	[smem:$0x3FBB] =	sst s0  }
0x18: {  	s0 =	sld [smem:$0x3F9E];
	_ =	swait.ge [sflag:s4], $0x0  }
0x19: {  	s7 =	sld [smem:$0x3F9F]  }
0x1a: {  	s8 =	sadd.s32 $0xFFFFE003, lr  }
0x1b: {  	s9 =	sadd.s32 $0xFFFFFEF7, lr;
	s5 =	simm.s32 $0xFFFFFFFF;
	p2 =	slt.u32 s8, $0xFFFFF086  }
0x1c: {  	p1 =	slt.u32 s9, $0xF7A;
	s5 =	simm.s32 @!p2 $0x0  }
0x1d: {  	s5 =	simm.s32 @p1 $0x1;
	p0 =	seq.s32 s7, s2  }
0x1e: {  	s7 =	smul.u32 @!p0 $0xF7A, s2;
	p2 =	seq.s32 @!p0 s5, $0x0  }
0x1f: {  	s9 =	smul.u32 $0xF7A, s1;
	s8 =	simm.s32 @!p0 $0x1BF5;
	p2 =	por !p2, p0  }
0x20: {  	[sflag:s8] =	ssyncset.s32 @!p0 $0xFFFFF086;
	s6 =	sadd.s32 @!p0 s3, s7;
	s7 =	simm.s32 @!p0 $0x108  }
0x21: {  	s3 =	sadd.s32 s3, s9;
	s6 =	sadd.s32 @!p0 $0x88, s6;
	s7 =	simm.s32 @p2 $0x1082  }
0x22: {  	[simem:s7], [sflag:s8] =	dma.local @!p0 [hbm:s6], $0xF7A  }
0x23: {  	s9 =	sor.u32 $0xD0000000, s2;
	s6 =	simm.s32 $0x108;
	_ =	swait.ge @!p0 [sflag:s8], $0x0  }
0x24: {  	s3 =	sadd.s32 $0x88, s3;
	s6 =	simm.s32 @!p1 $0x1082;
	[sflag:s4] =	ssyncset.s32 $0xFFFFF086  }
0x25: {  	[simem:s6], [sflag:s4] =	dma.local [hbm:s3], $0xF7A  }
0x26: {  	[smem:$0x3F9F] =	sst s1;
	(tag) =	ssettag s2;
	_ =	strace s9  }
0x27: {  	s1 =	sld [smem:$0x3FAF]  }
0x28: {  	s2 =	sld [smem:$0x3FB0]  }
0x29: {  	s4 =	sld [smem:$0x3FB2]  }
0x2a: {  	p0 =	seq.s32 s5, $0x0;
	s5 =	sld [smem:$0x3FB3]  }
0x2b: {  	s6 =	sld [smem:$0x3FB4]  }
0x2c: {  	s7 =	sld [smem:$0x3FB5]  }
0x2d: {  	s3 =	simm.s32 $0x108;
	s8 =	sld [smem:$0x3FB6]  }
0x2e: {  	s3 =	simm.s32 @!p0 $0x1082;
	s9 =	sld [smem:$0x3FB7]  }
0x2f: {  	lr =	sadd.s32 s0, s3;
	s0 =	sld [smem:$0x3FAE]  }
0x30: {  	s3 =	sld [smem:$0x3FB1]  }
0x31: {  	[smem:$0x3FBA] =	sst s10  }
0x32: {  	s10 =	sld [smem:$0x3FB8];
	_ =	sdelay $0x3  }
0x33: {  	p0 =	seq.s32 s10, $0x1;
	s10 =	sld [smem:$0x3FBA];
	_ =	sdelay $0x3  }
0x34: {  	[smem:$0x3FBA] =	sst s10  }
0x35: {  	s10 =	sld [smem:$0x3FB9];
	_ =	sdelay $0x3  }
0x36: {  	p1 =	seq.s32 s10, $0x1;
	s10 =	sld [smem:$0x3FBA];
	_ =	sdelay $0x3  }
0x37: {  	[smem:$0x3FBA] =	sst s10  }
0x38: {  	s10 =	sld [smem:$0x3FBB]  }
0x39: {  	_ = 	snop;
	(pc) =	sbr.ind lr, $3  }
0x3a: {  	_ = 	snop  }
0x3b: {  	_ = 	snop  }
0x3c: {  	p2 =	seq.s32 s10, $0x1;
	s10 =	sld [smem:$0x3FBA]  }
0x3d: {  	_ =	shalt  }
0x3e: {  	_ =	shalt  }
0x3f: {  	_ =	shalt  }
0x40: {  	_ =	shalt  }
0x41: {  	_ =	shalt  }
0x42: {  	_ =	shalt  }
0x43: {  	_ =	shalt  }
0x44: {  	_ =	shalt  }
0x45: {  	_ =	shalt  }
0x46: {  	_ =	shalt  }
0x47: {  	_ =	shalt  }
0x48: {  	_ =	shalt  }
0x49: {  	_ =	shalt  }
0x4a: {  	_ =	shalt  }
0x4b: {  	_ =	shalt  }
0x4c: {  	_ =	shalt  }
0x4d: {  	_ =	shalt  }
0x4e: {  	_ =	shalt  }
0x4f: {  	_ =	shalt  }
0x50: {  	_ =	shalt  }
0x51: {  	_ =	shalt  }
0x52: {  	_ =	shalt  }
0x53: {  	_ =	shalt  }
0x54: {  	_ =	shalt  }
0x55: {  	_ =	shalt  }
0x56: {  	_ =	shalt  }
0x57: {  	_ =	shalt  }
0x58: {  	_ =	shalt  }
0x59: {  	_ =	shalt  }
0x5a: {  	_ =	shalt  }
0x5b: {  	_ =	shalt  }
0x5c: {  	_ =	shalt  }
0x5d: {  	_ =	shalt  }
0x5e: {  	_ =	shalt  }
0x5f: {  	_ =	shalt  }
0x60: {  	_ =	shalt  }
0x61: {  	_ =	shalt  }
0x62: {  	_ =	shalt  }
0x63: {  	_ =	shalt  }
0x64: {  	_ =	shalt  }
0x65: {  	_ =	shalt  }
0x66: {  	_ =	shalt  }
0x67: {  	_ =	shalt  }
0x68: {  	_ =	shalt  }
0x69: {  	_ =	shalt  }
0x6a: {  	_ =	shalt  }
0x6b: {  	_ =	shalt  }
0x6c: {  	_ =	shalt  }
0x6d: {  	_ =	shalt  }
0x6e: {  	_ =	shalt  }
0x6f: {  	_ =	shalt  }
0x70: {  	_ =	shalt  }
0x71: {  	_ =	shalt  }
0x72: {  	_ =	shalt  }
0x73: {  	_ =	shalt  }
0x74: {  	_ =	shalt  }
0x75: {  	_ =	shalt  }
0x76: {  	_ =	shalt  }
0x77: {  	_ =	shalt  }
0x78: {  	_ =	shalt  }
0x79: {  	_ =	shalt  }
0x7a: {  	_ =	shalt  }
0x7b: {  	_ =	shalt  }
0x7c: {  	_ =	shalt  }
0x7d: {  	_ =	shalt  }
0x7e: {  	_ =	shalt  }
0x7f: {  	_ =	shalt  }
0x80: {  	_ =	shalt  }
0x81: {  	_ =	shalt  }
0x82: {  	_ =	shalt  }
0x83: {  	_ =	shalt  }
0x84: {  	_ =	shalt  }
0x85: {  	_ =	shalt  }
0x86: {  	_ =	shalt  }
0x87: {  	_ =	shalt  }
.Lfunc_end0:
.L_simem_size_0:
called_computation_lowered:
.L_overlay_start_0:
0x88: {  	s2 =	sld [smem:$0x3FD9]  }
0x89: {  	s3 =	sld [smem:$0x3FFE];
	_ =	sdelay $0x1  }
0x8a: {  	s1 =	srdreg.scid  }
0x8b: {  	s0 =	sand.u32 $0x1, s1  }
0x8c: {  	s17 =	sshll.u32 s0, $0xA;
	s2 =	sadd.s32 s3, s2  }
0x8d: {  	s2 =	sadd.s32 s2, s17  }
0x8e: {  	[smem:$0x3FC6] =	sst s2  }
0x8f: {  	_ = 	snop  }
0x90: {  	s2 =	sld [smem:$0x3FC8]  }
0x91: {  	s18 =	sld [smem:$0x3FD0];
	(tm) =	ssettm $0x1  }
0x92: {  	s4 =	sld [smem:$0x3FFB];
	_ =	sdelay $0x3  }
0x93: {  	_ =	strace s4  }
0x94: {  	s4 =	sld [smem:$0x3FFC];
	_ =	sdelay $0x3  }
0x95: {  	_ =	strace s4  }
0x96: {  	s4 =	sld [smem:$0x3FFD];
	_ =	sdelay $0x3  }
0x97: {  	_ =	strace s4  }
0x98: {  	_ =	strace $0x8FFFFFFF  }
0x99: {  	s19 =	sld [smem:$0x3FDB];
	_ =	sdelay $0x1  }
0x9a: {  	s5 =	simm.s32 $_scs_section_size  }
0x9b: {  	s6 =	simm.s32 $_size__tile_overlayer_lowered;
	s7 =	simm.s32 $_tile_overlayer_lowered  }
0x9c: {  	s22 =	simm.s32 $0x1BFF;
	s21 =	sshll.u32 s7, $0x1;
	s4 =	sadd.s32 s5, s19  }
0x9d: {  	s8 =	simm.s32 $0x0;
	s20 =	sshll.u32 s6, $0x1;
	s6 =	sadd.s32 s21, s4  }
0x9e: {  	[timem:s8], [sflag:s22] =	dma.local [hbm:s6], s20  }
0x9f: {  	_ =	swait.ge [sflag:s22], s20  }
0xa0: {  	s5 =	ssub.s32 $0x0, s20;
	[sflag:s22] =	ssyncset.done $0x0  }
0xa1: {  	[sflag:s22] =	ssyncadd.s32 s5;
	_ =	sdelay $0x1  }
0xa2: {  	s23 =	simm.s32 $0x1B8B  }
0xa3: {  	_ =	swait.ge [sflag:s23], $0x1  }
0xa4: {  	[sflag:s23] =	ssyncset.done $0x0  }
0xa5: {  	s25 =	simm.s32 $0x1B8E;
	s24 =	sld [smem:$0x3FFE];
	[sflag:s23] =	ssyncadd.s32 $0xFFFFFFFF  }
0xa6: {  	s26 =	simm.s32 $execute0_lowered;
	[smem:$0x3FD2] =	sst s25  }
0xa7: {  	s6 =	sshll.u32 s26, $0x1;
	_ =	strace $0x80000046;
	[dreg:$0x1] =	wrdreg $0xFFFFFFFF  }
0xa8: {  	s28 =	simm.s32 $_size_execute0_lowered;
	s4 =	sadd.s32 s4, s6;
	[dreg:$0x0] =	wrdreg $0x0  }
0xa9: {  	s6 =	sshll.u32 s28, $0x1;
	[dreg:$0x2] =	wrdreg s4  }
0xaa: {  	[dreg:$0x3] =	wrdreg s6  }
0xab: {  	[dreg:$0x4] =	wrdreg $0xC0  }
0xac: {  	_ =	task [dreg:s8], $0x5FFFF  }
0xad: {  	[dreg:$0x1] =	wrdreg $0xFFFFFFFF  }
0xae: {  	[dreg:$0x0] =	wrdreg $0x60  }
0xaf: {  	[dreg:$0x2] =	wrdreg s24  }
0xb0: {  	[dreg:$0x3] =	wrdreg s2  }
0xb1: {  	[dreg:$0x4] =	wrdreg s18  }
0xb2: {  	[dreg:$0x5] =	wrdreg $0x9  }
0xb3: {  	_ =	task.clear_ibuf [dreg:s8], $0x6FFFF;
	_ =	strace $0x90000046  }
0xb4: {  	s29 =	simm.s32 $0x9;
	_ =	strace $0x80000048  }
0xb5: {  	_ =	swait.ge [sflag:s29], $0x1  }
0xb6: {  	[sflag:s29] =	ssyncadd.s32 $0xFFFFFFFF  }
0xb7: {  	_ =	strace $0x90000048  }
0xb8: {  	_ =	sfence  }
0xb9: {  	s30 =	sld [smem:$0x0];
	_ =	sdelay $0x2  }
0xba: {  	s31 =	sshll.u32 s1, $0xD;
	s1 =	sshrl.u32 s1, $0x2  }
0xbb: {  	s3 =	sand.u32 $0x4000, s31;
	s1 =	sadd.s32 s1, s30  }
0xbc: {  	s0 =	sor.u32 s3, s0;
	s1 =	sshll.u32 s1, $0x11  }
0xbd: {  	s0 =	sor.u32 s1, s0  }
0xbe: {  	s0 =	sadd.s32 $0x8F2B, s0  }
0xbf: {  	[sflag:s0] =	ssyncadd.remote.s32 $0x1  }
0xc0: {  	_ =	sfence.sel $0xFFFF  }
0xc1: {  	[dreg:$0x0] =	wrdreg $0xFFFFFFFF;
	(pc) =	sbr.abs _section_cstart, $3  }
0xc2: {  	[dreg:$0x1] =	wrdreg $0xFFFFFFFF  }
0xc3: {  	_ =	task.clear_ibuf [dreg:s8], $0x2FFFF;
	_ =	strace $0x9FFFFFFF  }
0xc4: {  	(tm) =	ssettm $0x7FFFFFFF  }
0xc5: {  	_ =	shalt  }
tec
execute0_lowered:
.L_overlay_start_1:
0x0: {  	(tag) =	ssettag $0x1  }
0x1: {  	s0 =	rddreg [dreg:$0x0]  }
0x2: {  	s2 =	rddreg [dreg:$0x1]  }
0x3: {  	s1 =	srdreg.scid;
	s9 =	stileid.u32  }
0x4: {  	s10 =	rddreg [dreg:$0x2];
	s3 =	simm.s32 $0x0;
	s15 =	simm.s32 $0x9  }
0x5: {  	s16 =	simm.s32 $0xC8;
	s17 =	simm.s32 $0x6400;
	s18 =	simm.s32 $0xC800  }
0x6: {  	s19 =	simm.s32 $0x1;
	s21 =	simm.s32 $0x12C00;
	s22 =	simm.s32 $0x2  }
0x7: {  	s24 =	simm.s32 $0x19000;
	s25 =	simm.s32 $0x3;
	s29 =	simm.s32 $0x4  }
0x8: {  	s1 =	sand.u32 $0x1, s1;
	s4 =	sshll.u32 s9, $0x1;
	s11 =	smul.u32 $0xC8000, s9  }
0x9: {  	s4 =	sor.u32 s1, s4;
	s6 =	ssub.s32 $0x2, s1;
	s1 =	smul.u32 $0x64000, s1  }
0xa: {  	s30 =	simm.s32 $0x6;
	[smem:$0x7FF] =	sst s3;
	s5 =	smul.u32 $0x6400, s4  }
0xb: {  	s28 =	simm.s32 $0x0;
	_ =	strace $0x80000047;
	s7 =	smul.u32 $0x64000, s4  }
0xc: {  	s26 =	sshrl.u32 s6, $0x1;
	s8 =	smul.u32 $0x320000, s4;
	s12 =	sadd.s32 s11, s10  }
0xd: {  	s13 =	ssub.s32 s6, s26;
	s1 =	sadd.s32 s1, s12;
	s26 =	simm.s32 $0x5  }
0xe: {  	s5 =	sshrl.u32 s5, $0x3;
	s31 =	sshrl.u32 s8, $0x3;
	s13 =	smax.u32 s13, $0x1  }
0xf: {  	s14 =	sadd.s32 $0x5780, s1;
	s0 =	sadd.s32 s5, s0;
	s5 =	sadd.s32 s10, s7  }
0x10: {  	s1 =	simm.s32 $0x7;
	s0 =	sadd.s32 $0x400, s0;
	s6 =	sadd.s32 $0xC80, s5  }
0x11: {  	s7 =	sadd.s32 $0x1900, s5;
	[dreg:$0x4] =	wrdreg s0;
	s0 =	sadd.s32 s10, s31  }
0x12: {  	s8 =	sadd.s32 $0x2580, s5;
	s9 =	sadd.s32 $0x60E00, s0;
	s10 =	sadd.s32 $0x61A80, s0  }
0x13: {  	s11 =	sadd.s32 $0x62700, s0;
	s12 =	sadd.s32 $0x63380, s0;
	s0 =	simm.s32 $0x8  }
.LBB2_1:
0x14: {  	s4 =	rddreg [dreg:$0x4]  }
0x15: {  	[tilespmem:s3], [sflag:$0x9] =	stream.linear.gather [hbm4b:s4+s3], $0x6400, $0x38;
	[tilespmem:$0x1F400] =	vst v63  }
0x16: {  	_ =	swait.ge [sflag:s15], $0x6400  }
0x17: {  	[sflag:s15] =	ssyncset.done $0x0  }
0x18: {  	[sflag:s15] =	ssyncadd.s32 $0xFFFF9C00  }
0x19: {  	[tilespmem:s17], [sflag:$0x1] =	stream.indirect.gather [hbm4b:s2+s16], $0x80, s3, s16, $0xb8;
	[tilespmem:$0x1F400] =	vst v63  }
0x1a: {  	_ = 	snop  }
0x1b: {  	[tilespmem:s18], [sflag:$0x2] =	stream.indirect.gather [hbm4b:s2+s16], $0x80, s16, s16, $0xb8;
	[tilespmem:$0x1F400] =	vst v63  }
0x1c: {  	_ =	swait.ge [sflag:s19], $0x6400  }
0x1d: {  	[sflag:s19] =	ssyncset.done $0x0  }
0x1e: {  	[sflag:s19] =	ssyncadd.s32 $0xFFFF9C00  }
0x1f: {  	[hbm4b:s5+s3] =	stream.linear.scatter [tilespmem:s17], [sflag:$0x5], $0x6400, $0x38;
	[tilespmem:$0x1F400] =	vst v63  }
0x20: {  	s23 =	simm.s32 $0x190  }
0x21: {  	[tilespmem:s21], [sflag:$0x3] =	stream.indirect.gather [hbm4b:s2+s16], $0x80, s23, s16, $0xb8;
	[tilespmem:$0x1F400] =	vst v63  }
0x22: {  	_ =	swait.ge [sflag:s22], $0x6400  }
0x23: {  	[sflag:s22] =	ssyncset.done $0x0  }
0x24: {  	[sflag:s22] =	ssyncadd.s32 $0xFFFF9C00  }
0x25: {  	[hbm4b:s6+s3] =	stream.linear.scatter [tilespmem:s18], [sflag:$0x6], $0x6400, $0x38;
	[tilespmem:$0x1F400] =	vst v63  }
0x26: {  	s20 =	simm.s32 $0x258  }
0x27: {  	[tilespmem:s24], [sflag:$0x4] =	stream.indirect.gather [hbm4b:s2+s16], $0x80, s20, s16, $0xb8;
	[tilespmem:$0x1F400] =	vst v63  }
0x28: {  	_ =	swait.ge [sflag:s25], $0x6400  }
0x29: {  	[sflag:s25] =	ssyncset.done $0x0  }
0x2a: {  	[sflag:s25] =	ssyncadd.s32 $0xFFFF9C00  }
0x2b: {  	[hbm4b:s7+s3] =	stream.linear.scatter [tilespmem:s21], [sflag:$0x7], $0x6400, $0x38;
	[tilespmem:$0x1F400] =	vst v63  }
0x2c: {  	_ =	swait.ge [sflag:s26], $0x6400  }
0x2d: {  	[sflag:s26] =	ssyncset.done $0x0  }
0x2e: {  	s23 =	simm.s32 $0x320;
	[sflag:s26] =	ssyncadd.s32 $0xFFFF9C00  }
0x2f: {  	[tilespmem:s17], [sflag:$0x1] =	stream.indirect.gather [hbm4b:s2+s16], $0x80, s23, s16, $0xb8;
	[tilespmem:$0x1F400] =	vst v63  }
0x30: {  	_ =	swait.ge [sflag:s29], $0x6400  }
0x31: {  	[sflag:s29] =	ssyncset.done $0x0  }
0x32: {  	[sflag:s29] =	ssyncadd.s32 $0xFFFF9C00  }
0x33: {  	[hbm4b:s8+s3] =	stream.linear.scatter [tilespmem:s24], [sflag:$0x8], $0x6400, $0x38;
	[tilespmem:$0x1F400] =	vst v63  }
0x34: {  	_ =	swait.ge [sflag:s30], $0x6400  }
0x35: {  	[sflag:s30] =	ssyncset.done $0x0  }
0x36: {  	s20 =	simm.s32 $0x3E8;
	[sflag:s30] =	ssyncadd.s32 $0xFFFF9C00  }
0x37: {  	[tilespmem:s18], [sflag:$0x2] =	stream.indirect.gather [hbm4b:s2+s16], $0x80, s20, s16, $0xb8;
	[tilespmem:$0x1F400] =	vst v63  }
0x38: {  	_ =	swait.ge [sflag:s19], $0x6400  }
0x39: {  	[sflag:s19] =	ssyncset.done $0x0  }
0x3a: {  	s20 =	sadd.s32 $0xFFFFDA80, s14;
	[sflag:s19] =	ssyncadd.s32 $0xFFFF9C00  }
0x3b: {  	[hbm4b:s20+s3] =	stream.linear.scatter [tilespmem:s17], [sflag:$0x5], $0x6400, $0x38;
	[tilespmem:$0x1F400] =	vst v63  }
0x3c: {  	_ =	swait.ge [sflag:s1], $0x6400  }
0x3d: {  	[sflag:s1] =	ssyncset.done $0x0  }
0x3e: {  	s23 =	simm.s32 $0x4B0;
	[sflag:s1] =	ssyncadd.s32 $0xFFFF9C00  }
0x3f: {  	[tilespmem:s21], [sflag:$0x3] =	stream.indirect.gather [hbm4b:s2+s16], $0x80, s23, s16, $0xb8;
	[tilespmem:$0x1F400] =	vst v63  }
0x40: {  	_ =	swait.ge [sflag:s22], $0x6400  }
0x41: {  	[sflag:s22] =	ssyncset.done $0x0  }
0x42: {  	s4 =	sadd.s32 $0xFFFFE700, s14;
	[sflag:s22] =	ssyncadd.s32 $0xFFFF9C00  }
0x43: {  	[hbm4b:s4+s3] =	stream.linear.scatter [tilespmem:s18], [sflag:$0x6], $0x6400, $0x38;
	[tilespmem:$0x1F400] =	vst v63  }
0x44: {  	_ =	swait.ge [sflag:s0], $0x6400  }
0x45: {  	[sflag:s0] =	ssyncset.done $0x0  }
0x46: {  	s23 =	simm.s32 $0x578;
	[sflag:s0] =	ssyncadd.s32 $0xFFFF9C00  }
0x47: {  	[tilespmem:s24], [sflag:$0x4] =	stream.indirect.gather [hbm4b:s2+s16], $0x80, s23, s16, $0xb8;
	[tilespmem:$0x1F400] =	vst v63  }
0x48: {  	_ =	swait.ge [sflag:s25], $0x6400  }
0x49: {  	[sflag:s25] =	ssyncset.done $0x0  }
0x4a: {  	s4 =	sadd.s32 $0xFFFFF380, s14;
	[sflag:s25] =	ssyncadd.s32 $0xFFFF9C00  }
0x4b: {  	[hbm4b:s4+s3] =	stream.linear.scatter [tilespmem:s21], [sflag:$0x7], $0x6400, $0x38;
	[tilespmem:$0x1F400] =	vst v63  }
0x4c: {  	_ =	swait.ge [sflag:s26], $0x6400  }
0x4d: {  	[sflag:s26] =	ssyncset.done $0x0  }
0x4e: {  	s23 =	simm.s32 $0x640;
	[sflag:s26] =	ssyncadd.s32 $0xFFFF9C00  }
0x4f: {  	[tilespmem:s17], [sflag:$0x1] =	stream.indirect.gather [hbm4b:s2+s16], $0x80, s23, s16, $0xb8;
	[tilespmem:$0x1F400] =	vst v63  }
0x50: {  	_ =	swait.ge [sflag:s29], $0x6400  }
0x51: {  	[sflag:s29] =	ssyncset.done $0x0  }
0x52: {  	[sflag:s29] =	ssyncadd.s32 $0xFFFF9C00  }
0x53: {  	[hbm4b:s14+s3] =	stream.linear.scatter [tilespmem:s24], [sflag:$0x8], $0x6400, $0x38;
	[tilespmem:$0x1F400] =	vst v63  }
0x54: {  	_ =	swait.ge [sflag:s30], $0x6400  }
0x55: {  	s31 =	simm.s32 $0xC80;
	[sflag:s30] =	ssyncset.done $0x0  }
0x56: {  	s20 =	sadd.s32 $0x3200, s14;
	s23 =	simm.s32 $0x708;
	[sflag:s30] =	ssyncadd.s32 $0xFFFF9C00  }
.LBB2_2:
0x57: {  	[tilespmem:s18], [sflag:$0x2] =	stream.indirect.gather [hbm4b:s2+s16], $0x80, s23, s16, $0xb8;
	[tilespmem:$0x1F400] =	vst v63  }
0x58: {  	s23 =	smov.u32 s31  }
0x59: {  	p0 =	sne.s32 s31, $0x16A80;
	s31 =	sadd.s32 $0xC80, s31;
	_ =	swait.ge [sflag:s19], $0x6400  }
0x5a: {  	[sflag:s19] =	ssyncset.done $0x0  }
0x5b: {  	s4 =	sadd.s32 $0xFFFFDA80, s20;
	[sflag:s19] =	ssyncadd.s32 $0xFFFF9C00  }
0x5c: {  	[hbm4b:s4+s3] =	stream.linear.scatter [tilespmem:s17], [sflag:$0x5], $0x6400, $0x38;
	[tilespmem:$0x1F400] =	vst v63  }
0x5d: {  	_ =	swait.ge [sflag:s1], $0x6400  }
0x5e: {  	s4 =	sshra.s32 s23, $0x2;
	[sflag:s1] =	ssyncset.done $0x0  }
0x5f: {  	s23 =	sadd.s32 $0x4B0, s4;
	[sflag:s1] =	ssyncadd.s32 $0xFFFF9C00  }
0x60: {  	[tilespmem:s21], [sflag:$0x3] =	stream.indirect.gather [hbm4b:s2+s16], $0x80, s23, s16, $0xb8;
	[tilespmem:$0x1F400] =	vst v63  }
0x61: {  	_ =	swait.ge [sflag:s22], $0x6400  }
0x62: {  	[sflag:s22] =	ssyncset.done $0x0  }
0x63: {  	s23 =	sadd.s32 $0xFFFFE700, s20;
	[sflag:s22] =	ssyncadd.s32 $0xFFFF9C00  }
0x64: {  	[hbm4b:s23+s3] =	stream.linear.scatter [tilespmem:s18], [sflag:$0x6], $0x6400, $0x38;
	[tilespmem:$0x1F400] =	vst v63  }
0x65: {  	_ =	swait.ge [sflag:s0], $0x6400  }
0x66: {  	[sflag:s0] =	ssyncset.done $0x0  }
0x67: {  	s23 =	sadd.s32 $0x578, s4;
	[sflag:s0] =	ssyncadd.s32 $0xFFFF9C00  }
0x68: {  	[tilespmem:s24], [sflag:$0x4] =	stream.indirect.gather [hbm4b:s2+s16], $0x80, s23, s16, $0xb8;
	[tilespmem:$0x1F400] =	vst v63  }
0x69: {  	_ =	swait.ge [sflag:s25], $0x6400  }
0x6a: {  	[sflag:s25] =	ssyncset.done $0x0  }
0x6b: {  	s23 =	sadd.s32 $0xFFFFF380, s20;
	[sflag:s25] =	ssyncadd.s32 $0xFFFF9C00  }
0x6c: {  	[hbm4b:s23+s3] =	stream.linear.scatter [tilespmem:s21], [sflag:$0x7], $0x6400, $0x38;
	[tilespmem:$0x1F400] =	vst v63  }
0x6d: {  	_ =	swait.ge [sflag:s26], $0x6400  }
0x6e: {  	[sflag:s26] =	ssyncset.done $0x0  }
0x6f: {  	s23 =	sadd.s32 $0x640, s4;
	[sflag:s26] =	ssyncadd.s32 $0xFFFF9C00  }
0x70: {  	[tilespmem:s17], [sflag:$0x1] =	stream.indirect.gather [hbm4b:s2+s16], $0x80, s23, s16, $0xb8;
	[tilespmem:$0x1F400] =	vst v63  }
0x71: {  	_ =	swait.ge [sflag:s29], $0x6400  }
0x72: {  	[sflag:s29] =	ssyncset.done $0x0  }
.Ltmp0:
0x73: {  	[sflag:s29] =	ssyncadd.s32 $0xFFFF9C00;
	(pc) =	sbr.rel @p0 .LBB2_2-.Ltmp0, $4  }
0x74: {  	[hbm4b:s20+s3] =	stream.linear.scatter [tilespmem:s24], [sflag:$0x8], $0x6400, $0x38;
	[tilespmem:$0x1F400] =	vst v63  }
0x75: {  	_ =	swait.ge [sflag:s30], $0x6400  }
0x76: {  	[sflag:s30] =	ssyncset.done $0x0  }
0x77: {  	s23 =	sadd.s32 $0x708, s4;
	s20 =	sadd.s32 $0x3200, s20;
	[sflag:s30] =	ssyncadd.s32 $0xFFFF9C00  }
0x78: {  	[tilespmem:s18], [sflag:$0x2] =	stream.indirect.gather [hbm4b:s2+s16], $0x80, s23, s16, $0xb8;
	[tilespmem:$0x1F400] =	vst v63  }
0x79: {  	_ =	swait.ge [sflag:s19], $0x6400  }
0x7a: {  	[sflag:s19] =	ssyncset.done $0x0  }
0x7b: {  	[sflag:s19] =	ssyncadd.s32 $0xFFFF9C00  }
0x7c: {  	[hbm4b:s9+s3] =	stream.linear.scatter [tilespmem:s17], [sflag:$0x5], $0x6400, $0x38;
	[tilespmem:$0x1F400] =	vst v63  }
0x7d: {  	_ =	swait.ge [sflag:s1], $0x6400  }
0x7e: {  	[sflag:s1] =	ssyncset.done $0x0  }
0x7f: {  	s4 =	simm.s32 $0x6270;
	[sflag:s1] =	ssyncadd.s32 $0xFFFF9C00  }
0x80: {  	[tilespmem:s21], [sflag:$0x3] =	stream.indirect.gather [hbm4b:s2+s16], $0x80, s4, s16, $0xb8;
	[tilespmem:$0x1F400] =	vst v63  }
0x81: {  	_ =	swait.ge [sflag:s22], $0x6400  }
0x82: {  	[sflag:s22] =	ssyncset.done $0x0  }
0x83: {  	[sflag:s22] =	ssyncadd.s32 $0xFFFF9C00  }
0x84: {  	[hbm4b:s10+s3] =	stream.linear.scatter [tilespmem:s18], [sflag:$0x6], $0x6400, $0x38;
	[tilespmem:$0x1F400] =	vst v63  }
0x85: {  	_ =	swait.ge [sflag:s0], $0x6400  }
0x86: {  	[sflag:s0] =	ssyncset.done $0x0  }
0x87: {  	s31 =	simm.s32 $0x6338;
	[sflag:s0] =	ssyncadd.s32 $0xFFFF9C00  }
0x88: {  	[tilespmem:s24], [sflag:$0x4] =	stream.indirect.gather [hbm4b:s2+s16], $0x80, s31, s16, $0xb8;
	[tilespmem:$0x1F400] =	vst v63  }
0x89: {  	_ =	swait.ge [sflag:s25], $0x6400  }
0x8a: {  	[sflag:s25] =	ssyncset.done $0x0  }
0x8b: {  	[sflag:s25] =	ssyncadd.s32 $0xFFFF9C00  }
0x8c: {  	[hbm4b:s11+s3] =	stream.linear.scatter [tilespmem:s21], [sflag:$0x7], $0x6400, $0x38;
	[tilespmem:$0x1F400] =	vst v63  }
0x8d: {  	_ =	swait.ge [sflag:s29], $0x6400  }
0x8e: {  	[sflag:s29] =	ssyncset.done $0x0  }
0x8f: {  	[sflag:s29] =	ssyncadd.s32 $0xFFFF9C00  }
0x90: {  	[hbm4b:s12+s3] =	stream.linear.scatter [tilespmem:s24], [sflag:$0x8], $0x6400, $0x38;
	[tilespmem:$0x1F400] =	vst v63  }
0x91: {  	_ =	swait.ge [sflag:s26], $0x6400  }
0x92: {  	[sflag:s26] =	ssyncset.done $0x0  }
0x93: {  	[sflag:s26] =	ssyncadd.s32 $0xFFFF9C00  }
0x94: {  	_ =	swait.ge [sflag:s30], $0x6400  }
0x95: {  	[sflag:s30] =	ssyncset.done $0x0  }
0x96: {  	s28 =	sadd.s32 $0x1, s28;
	[sflag:s30] =	ssyncadd.s32 $0xFFFF9C00  }
0x97: {  	p0 =	sne.s32 s28, s13;
	_ =	swait.ge [sflag:s1], $0x6400  }
.Ltmp1:
0x98: {  	[sflag:s1] =	ssyncset.done $0x0;
	(pc) =	sbr.rel @p0 .LBB2_1-.Ltmp1, $4  }
0x99: {  	[sflag:s1] =	ssyncadd.s32 $0xFFFF9C00  }
0x9a: {  	_ =	swait.ge [sflag:s0], $0x6400  }
0x9b: {  	[sflag:s0] =	ssyncset.done $0x0  }
0x9c: {  	[sflag:s0] =	ssyncadd.s32 $0xFFFF9C00  }
0x9d: {  	_ =	sfence.sel $0x180000  }
0x9e: {  	[bflag:$0x0] =	sbarrier.arrive $0xFFFF  }
0x9f: {  	_ =	strace $0x90000047  }
0xa0: {  	s0 =	stileid.u32;
	[bflag:$0x2] =	sbarrier.arrive $0xFFFF  }
0xa1: {  	p0 =	sne.s32 s0, $0x0;
	s0 =	rddreg [dreg:$0x3]  }
0xa2: {  	s0 =	sadd.s32 @!p0 $0x100000, s0  }
0xa3: {  	[sflag:s0] =	ssyncadd.tile.s32 @!p0 $0x1;
	_ =	shalt  }
.Lfunc_end2:
_tile_overlayer_lowered:
.L_overlay_start_2:
0xa4: {  	(tag) =	ssettag $0x2  }
0xa5: {  	s0 =	rddreg [dreg:$0x0];
	s2 =	stileid.u32  }
0xa6: {  	s1 =	rddreg [dreg:$0x1];
	p0 =	sne.s32 s2, $0x0  }
0xa7: {  	s3 =	rddreg [dreg:$0x2];
	[bflag:$0x3] =	sbarrier.arrive $0xFFFF;
	s2 =	simm.s32 @!p0 $0x1C09  }
0xa8: {  	[timem:s3], [sflag:s2] =	dma.local @!p0 [hbm:s0], s1  }
0xa9: {  	s0 =	simm.s32 @!p0 $0x9  }
0xaa: {  	_ =	swait.ge @!p0 [sflag:s0], s1  }
0xab: {  	s1 =	ssub.s32 @!p0 $0x0, s1;
	[sflag:s0] =	ssyncset.done @!p0 $0x0  }
0xac: {  	[sflag:s0] =	ssyncadd.s32 @!p0 s1  }
0xad: {  	[bflag:$0x3] =	sbarrier.arrive $0xFFFF  }
0xae: {  	_ =	shalt  }

</sc_bundles>
